<compile_context>
chip_gen: v7x
topology: tpu7x:2x2x1
jax: 0.10.2.dev20260603
libtpu: 0.0.44.dev20260713+nightly
codegen_flags: <defaults>
</compile_context>

<pallas_src>
import functools

import jax
import jax.numpy as jnp
from jax import lax
from jax.experimental import pallas as pl
from jax.experimental.pallas import tpu as pltpu
from jax.experimental.pallas import tpu_sc as plsc

B = 8
S = 2048
T = 65
E = 2048
ROWS_OUT = S + T
RB = 128
NBLK = (ROWS_OUT + RB - 1) // RB


def _dit_kernel(ts_ref, mask_ref, na_ref, npos_ref, tpos_ref,
                w1_ref, b1_ref, w2_ref, b2_ref, wt_ref,
                wt1_ref, bt1_ref, wt2_ref, bt2_ref,
                dit_ref, vl_ref):
    b = pl.program_id(0)
    vl_ref[b] = jnp.sum(mask_ref[...])
    t = ts_ref[b].astype(jnp.float32)
    x = t * wt_ref[...]
    x = jnp.concatenate([jnp.cos(x), jnp.sin(x)], axis=1)
    h1 = x @ wt1_ref[...] + bt1_ref[...]
    h1 = h1 * jax.nn.sigmoid(h1)
    tt = h1 @ wt2_ref[...] + bt2_ref[...] + tpos_ref[...]
    a = na_ref[...]
    g = a @ w1_ref[...] + b1_ref[...]
    g = jax.nn.gelu(g, approximate=True)
    h = g @ w2_ref[...] + b2_ref[...] + npos_ref[...]
    dit_ref[...] = jnp.concatenate([tt, h], axis=0)


def _place_kernel(vl_sm, in_ref, dit_ref, out_ref):
    b = pl.program_id(0)
    i = pl.program_id(1)
    vl = vl_sm[b]
    r0 = i * RB
    rows = r0 + jax.lax.broadcasted_iota(jnp.int32, (RB, 1), 0)
    rel = rows - vl
    in_window = (rel >= 0) & (rel < T)
    keep = jnp.logical_not(in_window) & (rows < S)
    x = jnp.where(keep, in_ref[...], 0.0)

    intersects = (vl < r0 + RB) & (vl + T > r0)

    @pl.when(intersects)
    def _():
        j = jax.lax.broadcasted_iota(jnp.int32, (RB, T), 1)
        p = ((rel == j) & in_window).astype(jnp.float32)
        win = jax.lax.dot(p, dit_ref[...],
                          preferred_element_type=jnp.float32)
        out_ref[...] = x + win

    @pl.when(jnp.logical_not(intersects))
    def _():
        out_ref[...] = x


def _compute_dit(timesteps, attention_mask, noisy_actions, noise_pos,
                 timestep_pos, W1, b1, W2, b2, w_time, Wt1, bt1, Wt2, bt2,
                 interpret=False):
    full = lambda shape: pl.BlockSpec(shape, lambda b: (0,) * len(shape))
    grid_spec = pltpu.PrefetchScalarGridSpec(
        num_scalar_prefetch=0,
        grid=(B,),
        in_specs=[
            pl.BlockSpec(memory_space=pltpu.SMEM),
            pl.BlockSpec((None, 1, S), lambda b: (b, 0, 0)),
            pl.BlockSpec((None, 64, 32), lambda b: (b, 0, 0)),
            full((64, E)),
            full((1, E)),
            full((32, 32)), full((1, 32)),
            full((32, E)), full((1, E)),
            full((1, 128)),
            full((256, E)), full((1, E)),
            full((E, E)), full((1, E)),
        ],
        out_specs=[
            pl.BlockSpec((None, T, E), lambda b: (b, 0, 0)),
            pl.BlockSpec((B,), lambda b: (0,), memory_space=pltpu.SMEM),
        ],
    )
    return pl.pallas_call(
        _dit_kernel,
        grid_spec=grid_spec,
        out_shape=[
            jax.ShapeDtypeStruct((B, T, E), jnp.float32),
            jax.ShapeDtypeStruct((B,), jnp.int32),
        ],
        interpret=interpret,
    )(timesteps, attention_mask.reshape(B, 1, S), noisy_actions,
      noise_pos.reshape(64, E), timestep_pos.reshape(1, E),
      W1, b1.reshape(1, 32), W2, b2.reshape(1, E),
      w_time.reshape(1, 128), Wt1, bt1.reshape(1, E), Wt2, bt2.reshape(1, E))


def _place(vl, inputs_embeds, dit, interpret=False):
    grid_spec = pltpu.PrefetchScalarGridSpec(
        num_scalar_prefetch=1,
        grid=(B, NBLK),
        in_specs=[
            pl.BlockSpec((None, RB, E),
                         lambda b, i, vl_sm: (b, jax.lax.min(i, S // RB - 1), 0)),
            pl.BlockSpec((None, T, E), lambda b, i, vl_sm: (b, 0, 0)),
        ],
        out_specs=pl.BlockSpec((None, RB, E), lambda b, i, vl_sm: (b, i, 0)),
    )
    return pl.pallas_call(
        _place_kernel,
        grid_spec=grid_spec,
        out_shape=jax.ShapeDtypeStruct((B, ROWS_OUT, E), jnp.float32),
        interpret=interpret,
    )(vl, inputs_embeds, dit)


QUARTER = S // 4
NTILE_OUT = (ROWS_OUT + 7) // 8
NWIN = 9


def _sc_bulk_copy(inputs_embeds, zeros_te):
    mesh = plsc.VectorSubcoreMesh(core_axis_name="c", subcore_axis_name="s")

    @functools.partial(
        pl.kernel,
        mesh=mesh,
        out_type=jax.ShapeDtypeStruct((B, ROWS_OUT, E), jnp.float32),
    )
    def place(in_hbm, zero_hbm, out_hbm):
        c = lax.axis_index("c")
        s = lax.axis_index("s")
        b = c * 4 + s // 4
        q = s % 4
        pltpu.sync_copy(in_hbm.at[b].at[pl.ds(q * QUARTER, QUARTER)],
                        out_hbm.at[b].at[pl.ds(q * QUARTER, QUARTER)])

        @pl.when(q == 1)
        def _():
            pltpu.sync_copy(zero_hbm, out_hbm.at[b].at[pl.ds(S, T)])

    return place(inputs_embeds, zeros_te)


def _overlay_kernel(vl_sm, base_ref, in_ref, dit_ref, out_ref):
    b = pl.program_id(0)
    j = pl.program_id(1)
    vl = vl_sm[b]
    idx = jax.lax.min(vl // 8 + j, NTILE_OUT - 1)
    r0 = idx * 8
    rows = r0 + jax.lax.broadcasted_iota(jnp.int32, (8, 1), 0)
    rel = rows - vl
    in_window = (rel >= 0) & (rel < T)
    keep = jnp.logical_not(in_window) & (rows < S)
    x = jnp.where(keep, in_ref[...], 0.0)
    j65 = jax.lax.broadcasted_iota(jnp.int32, (8, T), 1)
    p = ((rel == j65) & in_window).astype(jnp.float32)
    out_ref[...] = x + jax.lax.dot(p, dit_ref[...],
                                   preferred_element_type=jnp.float32)


def _overlay(vl, base, inputs_embeds, dit, interpret=False):
    grid_spec = pltpu.PrefetchScalarGridSpec(
        num_scalar_prefetch=1,
        grid=(B, NWIN),
        in_specs=[
            pl.BlockSpec(memory_space=pl.ANY),
            pl.BlockSpec((None, 8, E),
                         lambda b, j, vl_sm: (
                             b,
                             jax.lax.min(vl_sm[b] // 8 + j, S // 8 - 1),
                             0)),
            pl.BlockSpec((None, T, E), lambda b, j, vl_sm: (b, 0, 0)),
        ],
        out_specs=pl.BlockSpec((None, 8, E),
                               lambda b, j, vl_sm: (
                                   b,
                                   jax.lax.min(vl_sm[b] // 8 + j,
                                               NTILE_OUT - 1),
                                   0)),
    )
    return pl.pallas_call(
        _overlay_kernel,
        grid_spec=grid_spec,
        out_shape=jax.ShapeDtypeStruct((B, ROWS_OUT, E), jnp.float32),
        input_output_aliases={1: 0},
        interpret=interpret,
    )(vl, base, inputs_embeds, dit)


def kernel(noisy_actions, timesteps, input_ids, attention_mask, inputs_embeds,
           noise_pos, timestep_pos, W1, b1, W2, b2, w_time, Wt1, bt1, Wt2,
           bt2):
    dit, vl = _compute_dit(timesteps, attention_mask, noisy_actions,
                           noise_pos, timestep_pos, W1, b1, W2, b2, w_time,
                           Wt1, bt1, Wt2, bt2)
    zeros_te = jnp.zeros((T, E), jnp.float32)
    base = _sc_bulk_copy(inputs_embeds, zeros_te)
    return _overlay(vl, base, inputs_embeds, dit)

# --- scband reference (transcript-rebuilt; emitter-appended) ---
"""Pipeline reference for scband-di-tmodules-4690104287866 (READ-ONLY COPY).

The authoritative reference and input builder live on the scoring server;
editing this copy changes nothing except your own understanding.
"""

import jax, jax.numpy as jnp
import numpy as np

B = 8
S = 2048
ACTION_DIM = 32
ACTION_LEN = 64
EMBED = 2048
TIME_DIM = 256


def setup_inputs(seed: int = 0) -> dict:
    key = jax.random.key(seed)
    ks = jax.random.split(key, 16)
    inp = {}
    inp["noisy_actions"] = jax.random.normal(ks[0], (B, ACTION_LEN, ACTION_DIM), dtype=jnp.float32)
    inp["timesteps"] = jax.random.randint(ks[1], (B,), 0, 100)
    inp["input_ids"] = jax.random.randint(ks[2], (B, S), 0, 32000)
    inp["attention_mask"] = jax.random.randint(ks[3], (B, S), 0, 2)
    inp["inputs_embeds"] = jax.random.normal(ks[4], (B, S, EMBED), dtype=jnp.float32)
    # learned parameters
    inp["noise_pos"] = jax.random.normal(ks[5], (1, ACTION_LEN, EMBED), dtype=jnp.float32) * 0.02
    inp["timestep_pos"] = jax.random.normal(ks[6], (1, 1, EMBED), dtype=jnp.float32) * 0.02
    inp["W1"] = jax.random.normal(ks[7], (ACTION_DIM, ACTION_DIM), dtype=jnp.float32) * 0.02
    inp["b1"] = jnp.zeros((ACTION_DIM,), dtype=jnp.float32)
    inp["W2"] = jax.random.normal(ks[8], (ACTION_DIM, EMBED), dtype=jnp.float32) * 0.02
    inp["b2"] = jnp.zeros((EMBED,), dtype=jnp.float32)
    half = TIME_DIM // 2
    inp["w_time"] = jnp.exp(jnp.arange(half, dtype=jnp.float32) * -(np.log(10000.0) / (half - 1)))
    inp["Wt1"] = jax.random.normal(ks[9], (TIME_DIM, EMBED), dtype=jnp.float32) * 0.02
    inp["bt1"] = jnp.zeros((EMBED,), dtype=jnp.float32)
    inp["Wt2"] = jax.random.normal(ks[10], (EMBED, EMBED), dtype=jnp.float32) * 0.02
    inp["bt2"] = jnp.zeros((EMBED,), dtype=jnp.float32)
    return inp


def reference(noisy_actions, timesteps, input_ids, attention_mask, inputs_embeds,
              noise_pos, timestep_pos, W1, b1, W2, b2, w_time, Wt1, bt1, Wt2, bt2):
    # prepare_inputs_for_DiT_evaluate with past_key_values=None
    # action_proj: Linear -> GELU(tanh) -> Linear
    h = jax.nn.gelu(noisy_actions @ W1 + b1, approximate=True) @ W2 + b2
    noisy_actions_token = h + noise_pos
    # time_net
    x = timesteps.astype(jnp.float32)[:, None] * w_time[None]
    x = jnp.concatenate([jnp.cos(x), jnp.sin(x)], axis=1)
    time_enc = (jax.nn.silu(x @ Wt1 + bt1) @ Wt2 + bt2)[:, None, :]
    time_token = time_enc + timestep_pos
    dit_tokens = jnp.concatenate([time_token, noisy_actions_token], axis=1)  # [B, T, E]
    T = dit_tokens.shape[1]
    valid_lengths = jnp.sum(attention_mask, axis=1, keepdims=True)  # [B, 1]
    indices = valid_lengths + jnp.arange(T, dtype=attention_mask.dtype)[None, :]  # [B, T]
    bidx = jnp.arange(noisy_actions.shape[0])[:, None]
    new_attention_mask = jnp.concatenate(
        [attention_mask, jnp.zeros((attention_mask.shape[0], T), dtype=attention_mask.dtype)], axis=1)
    new_attention_mask = new_attention_mask.at[bidx, indices].set(1)
    new_inputs_embeds = jnp.concatenate(
        [inputs_embeds, jnp.zeros((inputs_embeds.shape[0], T, inputs_embeds.shape[-1]), dtype=inputs_embeds.dtype)], axis=1)
    new_inputs_embeds = new_inputs_embeds.at[bidx, indices].set(dit_tokens)
    # main float output (input_ids / mask are integer pass-throughs)
    return new_inputs_embeds

if __name__ == "__main__":
    import jax
    _d = setup_inputs()
    print(jax.jit(kernel)(*tuple(_d.values())))

</pallas_src>

<mosaic_0001>
#map = affine_map<(d0, d1) -> (0, 0, 0)>
#map1 = affine_map<(d0, d1) -> (0, 0)>
module attributes {stable_mosaic.version = 14 : i64} {
  func.func @place(%arg0: i32, %arg1: i32, %arg2: memref<8x2048x2048xf32, #tpu.memory_space<hbm>>, %arg3: memref<65x2048xf32, #tpu.memory_space<hbm>>, %arg4: memref<8x2113x2048xf32, #tpu.memory_space<hbm>>) attributes {dimension_semantics = [#tpu.dimension_semantics<core_parallel>, #tpu.dimension_semantics<subcore_parallel>], iteration_bounds = array<i64: 2, 16>, scalar_prefetch = 0 : i64, scratch_operands = 0 : i64, tpu.core_type = #tpu.core_type<sc_vector_subcore>, window_params = [{transform_indices = #map}, {transform_indices = #map1}, {transform_indices = #map}]} {
    %mul3A = arith.constant 4 : i32
    %mul3A_0 = arith.muli %arg0, %mul3A : i32
    %jit3A = arith.constant 4 : i32
    %div3A = arith.divsi %arg1, %jit3A : i32
    %sign3A = arith.constant 0 : i32
    %sign3A_1 = arith.cmpi sgt, %arg1, %sign3A : i32
    %sign3A_2 = arith.extui %sign3A_1 : i1 to i32
    %sign3A_3 = arith.constant 0 : i32
    %sign3A_4 = arith.cmpi slt, %arg1, %sign3A_3 : i32
    %sign3A_5 = arith.extui %sign3A_4 : i1 to i32
    %sign3A_6 = arith.subi %sign3A_2, %sign3A_5 : i32
    %sign3A_7 = arith.constant 0 : i32
    %sign3A_8 = arith.cmpi sgt, %jit3A, %sign3A_7 : i32
    %sign3A_9 = arith.extui %sign3A_8 : i1 to i32
    %sign3A_10 = arith.constant 0 : i32
    %sign3A_11 = arith.cmpi slt, %jit3A, %sign3A_10 : i32
    %sign3A_12 = arith.extui %sign3A_11 : i1 to i32
    %sign3A_13 = arith.subi %sign3A_9, %sign3A_12 : i32
    %ne3A = arith.cmpi ne, %sign3A_6, %sign3A_13 : i32
    %rem3A = arith.remsi %arg1, %jit3A : i32
    %ne3A_14 = arith.constant 0 : i32
    %ne3A_15 = arith.cmpi ne, %rem3A, %ne3A_14 : i32
    %and3A = arith.andi %ne3A, %ne3A_15 : i1
    %sub3A = arith.constant 1 : i32
    %sub3A_16 = arith.subi %div3A, %sub3A : i32
    %select_n3A = arith.select %and3A, %sub3A_16, %div3A : i32
    %add3A = arith.addi %mul3A_0, %select_n3A : i32
    %jit3A_17 = arith.constant 4 : i32
    %eq3A = arith.constant 0 : i32
    %eq3A_18 = arith.cmpi eq, %jit3A_17, %eq3A : i32
    %jit3A_19 = arith.constant 1 : i32
    %select_n3A_20 = arith.select %eq3A_18, %jit3A_19, %jit3A_17 : i32
    %rem3A_21 = arith.remsi %arg1, %select_n3A_20 : i32
    %ne3A_22 = arith.constant 0 : i32
    %ne3A_23 = arith.cmpi ne, %rem3A_21, %ne3A_22 : i32
    %lt3A = arith.constant 0 : i32
    %lt3A_24 = arith.cmpi slt, %rem3A_21, %lt3A : i32
    %lt3A_25 = arith.constant 0 : i32
    %lt3A_26 = arith.cmpi slt, %select_n3A_20, %lt3A_25 : i32
    %ne3A_27 = arith.xori %lt3A_24, %lt3A_26 : i1
    %and3A_28 = arith.andi %ne3A_27, %ne3A_23 : i1
    %add3A_29 = arith.addi %rem3A_21, %select_n3A_20 : i32
    %select_n3A_30 = arith.select %and3A_28, %add3A_29, %rem3A_21 : i32
    %mul3A_31 = arith.constant 512 : i32
    %mul3A_32 = arith.muli %select_n3A_30, %mul3A_31 : i32
    %mul3A_33 = arith.constant 512 : i32
    %mul3A_34 = arith.muli %select_n3A_30, %mul3A_33 : i32
    "tpu.region"() ({
      %run_scoped3A = tpu.sem_alloc : memref<!tpu.dma_semaphore, #tpu.memory_space<semaphore_mem>>
      %dma_start3A = arith.constant 0 : i32
      %dma_start3A_38 = arith.constant 0 : i32
      %dma_start3A_39 = tpu.memref_slice %arg4[%add3A, %dma_start3A, %dma_start3A_38] : memref<8x2113x2048xf32, #tpu.memory_space<hbm>> -> memref<1x2113x2048xf32, #tpu.memory_space<hbm>>
      %dma_start3A_40 = tpu.memref_squeeze %dma_start3A_39 : memref<1x2113x2048xf32, #tpu.memory_space<hbm>> -> memref<2113x2048xf32, #tpu.memory_space<hbm>>
      %dma_start3A_41 = arith.constant 0 : i32
      %dma_start3A_42 = tpu.memref_slice %dma_start3A_40[%mul3A_34, %dma_start3A_41] : memref<2113x2048xf32, #tpu.memory_space<hbm>> -> memref<512x2048xf32, #tpu.memory_space<hbm>>
      %dma_start3A_43 = arith.constant 0 : i32
      %dma_start3A_44 = arith.constant 0 : i32
      %dma_start3A_45 = tpu.memref_slice %arg2[%add3A, %dma_start3A_43, %dma_start3A_44] : memref<8x2048x2048xf32, #tpu.memory_space<hbm>> -> memref<1x2048x2048xf32, #tpu.memory_space<hbm>>
      %dma_start3A_46 = tpu.memref_squeeze %dma_start3A_45 : memref<1x2048x2048xf32, #tpu.memory_space<hbm>> -> memref<2048x2048xf32, #tpu.memory_space<hbm>>
      %dma_start3A_47 = arith.constant 0 : i32
      %dma_start3A_48 = tpu.memref_slice %dma_start3A_46[%mul3A_32, %dma_start3A_47] : memref<2048x2048xf32, #tpu.memory_space<hbm>> -> memref<512x2048xf32, #tpu.memory_space<hbm>>
      tpu.enqueue_dma source(%dma_start3A_48 : memref<512x2048xf32, #tpu.memory_space<hbm>>) target(%dma_start3A_42 : memref<512x2048xf32, #tpu.memory_space<hbm>>) target_semaphore(%run_scoped3A : memref<!tpu.dma_semaphore, #tpu.memory_space<semaphore_mem>>)
      %dma_wait3A = arith.constant 0 : i32
      %dma_wait3A_49 = arith.constant 0 : i32
      %dma_wait3A_50 = tpu.memref_slice %arg4[%add3A, %dma_wait3A, %dma_wait3A_49] : memref<8x2113x2048xf32, #tpu.memory_space<hbm>> -> memref<1x2113x2048xf32, #tpu.memory_space<hbm>>
      %dma_wait3A_51 = tpu.memref_squeeze %dma_wait3A_50 : memref<1x2113x2048xf32, #tpu.memory_space<hbm>> -> memref<2113x2048xf32, #tpu.memory_space<hbm>>
      %dma_wait3A_52 = arith.constant 0 : i32
      %dma_wait3A_53 = tpu.memref_slice %dma_wait3A_51[%mul3A_34, %dma_wait3A_52] : memref<2113x2048xf32, #tpu.memory_space<hbm>> -> memref<512x2048xf32, #tpu.memory_space<hbm>>
      %dma_wait3A_54 = arith.constant 0 : i32
      %dma_wait3A_55 = arith.constant 0 : i32
      %dma_wait3A_56 = tpu.memref_slice %arg2[%add3A, %dma_wait3A_54, %dma_wait3A_55] : memref<8x2048x2048xf32, #tpu.memory_space<hbm>> -> memref<1x2048x2048xf32, #tpu.memory_space<hbm>>
      %dma_wait3A_57 = tpu.memref_squeeze %dma_wait3A_56 : memref<1x2048x2048xf32, #tpu.memory_space<hbm>> -> memref<2048x2048xf32, #tpu.memory_space<hbm>>
      %dma_wait3A_58 = arith.constant 0 : i32
      %dma_wait3A_59 = tpu.memref_slice %dma_wait3A_57[%mul3A_32, %dma_wait3A_58] : memref<2048x2048xf32, #tpu.memory_space<hbm>> -> memref<512x2048xf32, #tpu.memory_space<hbm>>
      tpu.wait_dma2 semaphore(%run_scoped3A : memref<!tpu.dma_semaphore, #tpu.memory_space<semaphore_mem>>) src(%dma_wait3A_59 : memref<512x2048xf32, #tpu.memory_space<hbm>>) dst(%dma_wait3A_53 : memref<512x2048xf32, #tpu.memory_space<hbm>>)
      tpu.yield
    }) : () -> ()
    %eq3A_35 = arith.constant 1 : i32
    %eq3A_36 = arith.cmpi eq, %select_n3A_30, %eq3A_35 : i32
    %convert_element_type3A = arith.extui %eq3A_36 : i1 to i32
    %cond3A = arith.constant 0 : i32
    %cond3A_37 = arith.cmpi ne, %convert_element_type3A, %cond3A : i32
    scf.if %cond3A_37 {
      "tpu.region"() ({
        %run_scoped3A = tpu.sem_alloc : memref<!tpu.dma_semaphore, #tpu.memory_space<semaphore_mem>>
        %dma_start3A = arith.constant 0 : i32
        %dma_start3A_38 = arith.constant 0 : i32
        %dma_start3A_39 = tpu.memref_slice %arg4[%add3A, %dma_start3A, %dma_start3A_38] : memref<8x2113x2048xf32, #tpu.memory_space<hbm>> -> memref<1x2113x2048xf32, #tpu.memory_space<hbm>>
        %dma_start3A_40 = tpu.memref_squeeze %dma_start3A_39 : memref<1x2113x2048xf32, #tpu.memory_space<hbm>> -> memref<2113x2048xf32, #tpu.memory_space<hbm>>
        %dma_start3A_41 = arith.constant 2048 : i32
        %dma_start3A_42 = arith.constant 0 : i32
        %dma_start3A_43 = tpu.memref_slice %dma_start3A_40[%dma_start3A_41, %dma_start3A_42] : memref<2113x2048xf32, #tpu.memory_space<hbm>> -> memref<65x2048xf32, #tpu.memory_space<hbm>>
        tpu.enqueue_dma source(%arg3 : memref<65x2048xf32, #tpu.memory_space<hbm>>) target(%dma_start3A_43 : memref<65x2048xf32, #tpu.memory_space<hbm>>) target_semaphore(%run_scoped3A : memref<!tpu.dma_semaphore, #tpu.memory_space<semaphore_mem>>)
        %dma_wait3A = arith.constant 0 : i32
        %dma_wait3A_44 = arith.constant 0 : i32
        %dma_wait3A_45 = tpu.memref_slice %arg4[%add3A, %dma_wait3A, %dma_wait3A_44] : memref<8x2113x2048xf32, #tpu.memory_space<hbm>> -> memref<1x2113x2048xf32, #tpu.memory_space<hbm>>
        %dma_wait3A_46 = tpu.memref_squeeze %dma_wait3A_45 : memref<1x2113x2048xf32, #tpu.memory_space<hbm>> -> memref<2113x2048xf32, #tpu.memory_space<hbm>>
        %dma_wait3A_47 = arith.constant 2048 : i32
        %dma_wait3A_48 = arith.constant 0 : i32
        %dma_wait3A_49 = tpu.memref_slice %dma_wait3A_46[%dma_wait3A_47, %dma_wait3A_48] : memref<2113x2048xf32, #tpu.memory_space<hbm>> -> memref<65x2048xf32, #tpu.memory_space<hbm>>
        tpu.wait_dma2 semaphore(%run_scoped3A : memref<!tpu.dma_semaphore, #tpu.memory_space<semaphore_mem>>) src(%arg3 : memref<65x2048xf32, #tpu.memory_space<hbm>>) dst(%dma_wait3A_49 : memref<65x2048xf32, #tpu.memory_space<hbm>>)
        tpu.yield
      }) : () -> ()
    } else {
    }
    return
  }
}

module attributes {stable_mosaic.version = 14 : i64} {
  func.func @_dit_kernel(%arg0: i32, %arg1: memref<8xi32, #tpu.memory_space<smem>>, %arg2: memref<1x1x2048xi32, #tpu.memory_space<vmem>>, %arg3: memref<1x64x32xf32, #tpu.memory_space<vmem>>, %arg4: memref<64x2048xf32, #tpu.memory_space<vmem>>, %arg5: memref<1x2048xf32, #tpu.memory_space<vmem>>, %arg6: memref<32x32xf32, #tpu.memory_space<vmem>>, %arg7: memref<1x32xf32, #tpu.memory_space<vmem>>, %arg8: memref<32x2048xf32, #tpu.memory_space<vmem>>, %arg9: memref<1x2048xf32, #tpu.memory_space<vmem>>, %arg10: memref<1x128xf32, #tpu.memory_space<vmem>>, %arg11: memref<256x2048xf32, #tpu.memory_space<vmem>>, %arg12: memref<1x2048xf32, #tpu.memory_space<vmem>>, %arg13: memref<2048x2048xf32, #tpu.memory_space<vmem>>, %arg14: memref<1x2048xf32, #tpu.memory_space<vmem>>, %arg15: memref<1x65x2048xf32, #tpu.memory_space<vmem>>, %arg16: memref<8xi32, #tpu.memory_space<smem>>) attributes {dimension_semantics = [#tpu.dimension_semantics<arbitrary>], iteration_bounds = array<i64: 8>, scalar_prefetch = 0 : i64, scratch_operands = 0 : i64, tpu.core_type = #tpu.core_type<tc>, window_params = [{transform_indices = @transform_0, window_bounds = array<i64: 8>}, {transform_indices = @transform_1, window_bounds = array<i64: 1, 1, 2048>}, {transform_indices = @transform_2, window_bounds = array<i64: 1, 64, 32>}, {pipeline_mode = #tpu.pipeline_mode<synchronous>, transform_indices = @transform_3, window_bounds = array<i64: 64, 2048>}, {pipeline_mode = #tpu.pipeline_mode<synchronous>, transform_indices = @transform_4, window_bounds = array<i64: 1, 2048>}, {pipeline_mode = #tpu.pipeline_mode<synchronous>, transform_indices = @transform_5, window_bounds = array<i64: 32, 32>}, {pipeline_mode = #tpu.pipeline_mode<synchronous>, transform_indices = @transform_6, window_bounds = array<i64: 1, 32>}, {pipeline_mode = #tpu.pipeline_mode<synchronous>, transform_indices = @transform_7, window_bounds = array<i64: 32, 2048>}, {pipeline_mode = #tpu.pipeline_mode<synchronous>, transform_indices = @transform_8, window_bounds = array<i64: 1, 2048>}, {pipeline_mode = #tpu.pipeline_mode<synchronous>, transform_indices = @transform_9, window_bounds = array<i64: 1, 128>}, {pipeline_mode = #tpu.pipeline_mode<synchronous>, transform_indices = @transform_10, window_bounds = array<i64: 256, 2048>}, {pipeline_mode = #tpu.pipeline_mode<synchronous>, transform_indices = @transform_11, window_bounds = array<i64: 1, 2048>}, {pipeline_mode = #tpu.pipeline_mode<synchronous>, transform_indices = @transform_12, window_bounds = array<i64: 2048, 2048>}, {pipeline_mode = #tpu.pipeline_mode<synchronous>, transform_indices = @transform_13, window_bounds = array<i64: 1, 2048>}, {transform_indices = @transform_14, window_bounds = array<i64: 1, 65, 2048>}, {transform_indices = @transform_15, window_bounds = array<i64: 8>}]} {
    %get3A = arith.constant 0 : index
    %get3A_0 = arith.constant 0 : index
    %get3A_1 = arith.constant 0 : index
    %get3A_2 = vector.load %arg2[%get3A, %get3A_0, %get3A_1] : memref<1x1x2048xi32, #tpu.memory_space<vmem>>, vector<1x1x2048xi32>
    %get3A_3 = vector.shape_cast %get3A_2 : vector<1x1x2048xi32> to vector<1x2048xi32>
    %reduce_sum3A = vector.shape_cast %get3A_3 : vector<1x2048xi32> to vector<1x1x2048xi32>
    %reduce_sum3A_4 = arith.constant dense<0> : vector<1xi32>
    %reduce_sum3A_5 = vector.multi_reduction <add>, %reduce_sum3A, %reduce_sum3A_4 [1, 2] : vector<1x1x2048xi32> to vector<1xi32>
    %reduce_sum3A_6 = vector.shape_cast %reduce_sum3A_5 : vector<1xi32> to vector<1x1x1xi32>
    %reduce_sum3A_7 = vector.extract %reduce_sum3A_6[0, 0, 0] : i32 from vector<1x1x1xi32>
    %swap3A = arith.index_cast %arg0 : i32 to index
    %swap3A_8 = memref.load %arg16[%swap3A] : memref<8xi32, #tpu.memory_space<smem>>
    memref.store %reduce_sum3A_7, %arg16[%swap3A] : memref<8xi32, #tpu.memory_space<smem>>
    %get3A_9 = arith.index_cast %arg0 : i32 to index
    %get3A_10 = memref.load %arg1[%get3A_9] : memref<8xi32, #tpu.memory_space<smem>>
    %convert_element_type3A = arith.sitofp %get3A_10 : i32 to f32
    %get3A_11 = arith.constant 0 : index
    %get3A_12 = arith.constant 0 : index
    %get3A_13 = vector.load %arg10[%get3A_11, %get3A_12] : memref<1x128xf32, #tpu.memory_space<vmem>>, vector<1x128xf32>
    %mul3A = vector.broadcast %convert_element_type3A : f32 to vector<1x128xf32>
    %mul3A_14 = arith.mulf %mul3A, %get3A_13 : vector<1x128xf32>
    %cos3A = math.cos %mul3A_14 : vector<1x128xf32>
    %sin3A = math.sin %mul3A_14 : vector<1x128xf32>
    %concatenate3A = tpu.concatenate %cos3A, %sin3A in 1 : vector<1x128xf32>, vector<1x128xf32> -> vector<1x256xf32>
    %get3A_15 = arith.constant 0 : index
    %get3A_16 = arith.constant 0 : index
    %get3A_17 = vector.load %arg11[%get3A_15, %get3A_16] : memref<256x2048xf32, #tpu.memory_space<vmem>>, vector<256x2048xf32>
    %dot_general3A = arith.constant dense<0.000000e+00> : vector<1x2048xf32>
    %dot_general3A_18 = tpu.matmul %concatenate3A, %get3A_17, %dot_general3A {dimension_numbers = #tpu.dot_dimension_numbers<[1], [0], [0], [1], [0, 0, 1, 1], [], []>, transpose_lhs_hint = false} : vector<1x256xf32>, vector<256x2048xf32>, vector<1x2048xf32> -> vector<1x2048xf32>
    %get3A_19 = arith.constant 0 : index
    %get3A_20 = arith.constant 0 : index
    %get3A_21 = vector.load %arg12[%get3A_19, %get3A_20] : memref<1x2048xf32, #tpu.memory_space<vmem>>, vector<1x2048xf32>
    %add3A = arith.addf %dot_general3A_18, %get3A_21 : vector<1x2048xf32>
    %logistic3A = arith.negf %add3A : vector<1x2048xf32>
    %logistic3A_22 = math.exp %logistic3A : vector<1x2048xf32>
    %logistic3A_23 = arith.constant 1.000000e+00 : f32
    %logistic3A_24 = vector.broadcast %logistic3A_23 : f32 to vector<1x2048xf32>
    %logistic3A_25 = arith.addf %logistic3A_24, %logistic3A_22 : vector<1x2048xf32>
    %logistic3A_26 = arith.divf %logistic3A_24, %logistic3A_25 : vector<1x2048xf32>
    %mul3A_27 = arith.mulf %add3A, %logistic3A_26 : vector<1x2048xf32>
    %get3A_28 = arith.constant 0 : index
    %get3A_29 = arith.constant 0 : index
    %get3A_30 = vector.load %arg13[%get3A_28, %get3A_29] : memref<2048x2048xf32, #tpu.memory_space<vmem>>, vector<2048x2048xf32>
    %dot_general3A_31 = arith.constant dense<0.000000e+00> : vector<1x2048xf32>
    %dot_general3A_32 = tpu.matmul %mul3A_27, %get3A_30, %dot_general3A_31 {dimension_numbers = #tpu.dot_dimension_numbers<[1], [0], [0], [1], [0, 0, 1, 1], [], []>, transpose_lhs_hint = false} : vector<1x2048xf32>, vector<2048x2048xf32>, vector<1x2048xf32> -> vector<1x2048xf32>
    %get3A_33 = arith.constant 0 : index
    %get3A_34 = arith.constant 0 : index
    %get3A_35 = vector.load %arg14[%get3A_33, %get3A_34] : memref<1x2048xf32, #tpu.memory_space<vmem>>, vector<1x2048xf32>
    %add3A_36 = arith.addf %dot_general3A_32, %get3A_35 : vector<1x2048xf32>
    %get3A_37 = arith.constant 0 : index
    %get3A_38 = arith.constant 0 : index
    %get3A_39 = vector.load %arg5[%get3A_37, %get3A_38] : memref<1x2048xf32, #tpu.memory_space<vmem>>, vector<1x2048xf32>
    %add3A_40 = arith.addf %add3A_36, %get3A_39 : vector<1x2048xf32>
    %get3A_41 = arith.constant 0 : index
    %get3A_42 = arith.constant 0 : index
    %get3A_43 = arith.constant 0 : index
    %get3A_44 = vector.load %arg3[%get3A_41, %get3A_42, %get3A_43] : memref<1x64x32xf32, #tpu.memory_space<vmem>>, vector<1x64x32xf32>
    %get3A_45 = vector.shape_cast %get3A_44 : vector<1x64x32xf32> to vector<64x32xf32>
    %get3A_46 = arith.constant 0 : index
    %get3A_47 = arith.constant 0 : index
    %get3A_48 = vector.load %arg6[%get3A_46, %get3A_47] : memref<32x32xf32, #tpu.memory_space<vmem>>, vector<32x32xf32>
    %dot_general3A_49 = arith.constant dense<0.000000e+00> : vector<64x32xf32>
    %dot_general3A_50 = tpu.matmul %get3A_45, %get3A_48, %dot_general3A_49 {dimension_numbers = #tpu.dot_dimension_numbers<[1], [0], [0], [1], [0, 0, 1, 1], [], []>, transpose_lhs_hint = false} : vector<64x32xf32>, vector<32x32xf32>, vector<64x32xf32> -> vector<64x32xf32>
    %get3A_51 = arith.constant 0 : index
    %get3A_52 = arith.constant 0 : index
    %get3A_53 = vector.load %arg7[%get3A_51, %get3A_52] : memref<1x32xf32, #tpu.memory_space<vmem>>, vector<1x32xf32>
    %add3A_54 = vector.broadcast %get3A_53 : vector<1x32xf32> to vector<64x32xf32>
    %add3A_55 = arith.addf %dot_general3A_50, %add3A_54 : vector<64x32xf32>
    %integer_pow3A = arith.mulf %add3A_55, %add3A_55 : vector<64x32xf32>
    %integer_pow3A_56 = arith.mulf %add3A_55, %integer_pow3A : vector<64x32xf32>
    %mul3A_57 = arith.constant 4.471500e-02 : f32
    %mul3A_58 = vector.broadcast %mul3A_57 : f32 to vector<64x32xf32>
    %mul3A_59 = arith.mulf %mul3A_58, %integer_pow3A_56 : vector<64x32xf32>
    %add3A_60 = arith.addf %add3A_55, %mul3A_59 : vector<64x32xf32>
    %mul3A_61 = arith.constant 0.797884583 : f32
    %mul3A_62 = vector.broadcast %mul3A_61 : f32 to vector<64x32xf32>
    %mul3A_63 = arith.mulf %mul3A_62, %add3A_60 : vector<64x32xf32>
    %tanh3A = math.tanh %mul3A_63 : vector<64x32xf32>
    %add3A_64 = arith.constant 1.000000e+00 : f32
    %add3A_65 = vector.broadcast %add3A_64 : f32 to vector<64x32xf32>
    %add3A_66 = arith.addf %add3A_65, %tanh3A : vector<64x32xf32>
    %mul3A_67 = arith.constant 5.000000e-01 : f32
    %mul3A_68 = vector.broadcast %mul3A_67 : f32 to vector<64x32xf32>
    %mul3A_69 = arith.mulf %mul3A_68, %add3A_66 : vector<64x32xf32>
    %mul3A_70 = arith.mulf %add3A_55, %mul3A_69 : vector<64x32xf32>
    %get3A_71 = arith.constant 0 : index
    %get3A_72 = arith.constant 0 : index
    %get3A_73 = vector.load %arg8[%get3A_71, %get3A_72] : memref<32x2048xf32, #tpu.memory_space<vmem>>, vector<32x2048xf32>
    %dot_general3A_74 = arith.constant dense<0.000000e+00> : vector<64x2048xf32>
    %dot_general3A_75 = tpu.matmul %mul3A_70, %get3A_73, %dot_general3A_74 {dimension_numbers = #tpu.dot_dimension_numbers<[1], [0], [0], [1], [0, 0, 1, 1], [], []>, transpose_lhs_hint = false} : vector<64x32xf32>, vector<32x2048xf32>, vector<64x2048xf32> -> vector<64x2048xf32>
    %get3A_76 = arith.constant 0 : index
    %get3A_77 = arith.constant 0 : index
    %get3A_78 = vector.load %arg9[%get3A_76, %get3A_77] : memref<1x2048xf32, #tpu.memory_space<vmem>>, vector<1x2048xf32>
    %add3A_79 = vector.broadcast %get3A_78 : vector<1x2048xf32> to vector<64x2048xf32>
    %add3A_80 = arith.addf %dot_general3A_75, %add3A_79 : vector<64x2048xf32>
    %get3A_81 = arith.constant 0 : index
    %get3A_82 = arith.constant 0 : index
    %get3A_83 = vector.load %arg4[%get3A_81, %get3A_82] : memref<64x2048xf32, #tpu.memory_space<vmem>>, vector<64x2048xf32>
    %add3A_84 = arith.addf %add3A_80, %get3A_83 : vector<64x2048xf32>
    %concatenate3A_85 = tpu.concatenate %add3A_40, %add3A_84 in 0 : vector<1x2048xf32>, vector<64x2048xf32> -> vector<65x2048xf32>
    %swap3A_86 = arith.constant 0 : index
    %swap3A_87 = arith.constant 0 : index
    %swap3A_88 = arith.constant 0 : index
    %swap3A_89 = vector.load %arg15[%swap3A_86, %swap3A_87, %swap3A_88] : memref<1x65x2048xf32, #tpu.memory_space<vmem>>, vector<1x65x2048xf32>
    %swap3A_90 = vector.shape_cast %swap3A_89 : vector<1x65x2048xf32> to vector<65x2048xf32>
    %swap3A_91 = vector.shape_cast %concatenate3A_85 : vector<65x2048xf32> to vector<1x65x2048xf32>
    tpu.vector_store %arg15[%swap3A_86, %swap3A_87, %swap3A_88], %swap3A_91 {strides = array<i32>} : memref<1x65x2048xf32, #tpu.memory_space<vmem>>, vector<1x65x2048xf32>,
    return
  }
  func.func @transform_0(%arg0: i32) -> i32 {
    %c0_i32 = arith.constant 0 : i32
    %c0_i32_0 = arith.constant 0 : i32
    return %c0_i32 : i32
  }
  func.func @transform_1(%arg0: i32) -> (i32, i32, i32) {
    %c0_i32 = arith.constant 0 : i32
    %c0_i32_0 = arith.constant 0 : i32
    %c0_i32_1 = arith.constant 0 : i32
    return %arg0, %c0_i32, %c0_i32_0 : i32, i32, i32
  }
  func.func @transform_2(%arg0: i32) -> (i32, i32, i32) {
    %c0_i32 = arith.constant 0 : i32
    %c0_i32_0 = arith.constant 0 : i32
    %c0_i32_1 = arith.constant 0 : i32
    return %arg0, %c0_i32, %c0_i32_0 : i32, i32, i32
  }
  func.func @transform_3(%arg0: i32) -> (i32, i32) {
    %c0_i32 = arith.constant 0 : i32
    %c0_i32_0 = arith.constant 0 : i32
    %c0_i32_1 = arith.constant 0 : i32
    return %c0_i32, %c0_i32_0 : i32, i32
  }
  func.func @transform_4(%arg0: i32) -> (i32, i32) {
    %c0_i32 = arith.constant 0 : i32
    %c0_i32_0 = arith.constant 0 : i32
    %c0_i32_1 = arith.constant 0 : i32
    return %c0_i32, %c0_i32_0 : i32, i32
  }
  func.func @transform_5(%arg0: i32) -> (i32, i32) {
    %c0_i32 = arith.constant 0 : i32
    %c0_i32_0 = arith.constant 0 : i32
    %c0_i32_1 = arith.constant 0 : i32
    return %c0_i32, %c0_i32_0 : i32, i32
  }
  func.func @transform_6(%arg0: i32) -> (i32, i32) {
    %c0_i32 = arith.constant 0 : i32
    %c0_i32_0 = arith.constant 0 : i32
    %c0_i32_1 = arith.constant 0 : i32
    return %c0_i32, %c0_i32_0 : i32, i32
  }
  func.func @transform_7(%arg0: i32) -> (i32, i32) {
    %c0_i32 = arith.constant 0 : i32
    %c0_i32_0 = arith.constant 0 : i32
    %c0_i32_1 = arith.constant 0 : i32
    return %c0_i32, %c0_i32_0 : i32, i32
  }
  func.func @transform_8(%arg0: i32) -> (i32, i32) {
    %c0_i32 = arith.constant 0 : i32
    %c0_i32_0 = arith.constant 0 : i32
    %c0_i32_1 = arith.constant 0 : i32
    return %c0_i32, %c0_i32_0 : i32, i32
  }
  func.func @transform_9(%arg0: i32) -> (i32, i32) {
    %c0_i32 = arith.constant 0 : i32
    %c0_i32_0 = arith.constant 0 : i32
    %c0_i32_1 = arith.constant 0 : i32
    return %c0_i32, %c0_i32_0 : i32, i32
  }
  func.func @transform_10(%arg0: i32) -> (i32, i32) {
    %c0_i32 = arith.constant 0 : i32
    %c0_i32_0 = arith.constant 0 : i32
    %c0_i32_1 = arith.constant 0 : i32
    return %c0_i32, %c0_i32_0 : i32, i32
  }
  func.func @transform_11(%arg0: i32) -> (i32, i32) {
    %c0_i32 = arith.constant 0 : i32
    %c0_i32_0 = arith.constant 0 : i32
    %c0_i32_1 = arith.constant 0 : i32
    return %c0_i32, %c0_i32_0 : i32, i32
  }
  func.func @transform_12(%arg0: i32) -> (i32, i32) {
    %c0_i32 = arith.constant 0 : i32
    %c0_i32_0 = arith.constant 0 : i32
    %c0_i32_1 = arith.constant 0 : i32
    return %c0_i32, %c0_i32_0 : i32, i32
  }
  func.func @transform_13(%arg0: i32) -> (i32, i32) {
    %c0_i32 = arith.constant 0 : i32
    %c0_i32_0 = arith.constant 0 : i32
    %c0_i32_1 = arith.constant 0 : i32
    return %c0_i32, %c0_i32_0 : i32, i32
  }
  func.func @transform_14(%arg0: i32) -> (i32, i32, i32) {
    %c0_i32 = arith.constant 0 : i32
    %c0_i32_0 = arith.constant 0 : i32
    %c0_i32_1 = arith.constant 0 : i32
    return %arg0, %c0_i32, %c0_i32_0 : i32, i32, i32
  }
  func.func @transform_15(%arg0: i32) -> i32 {
    %c0_i32 = arith.constant 0 : i32
    %c0_i32_0 = arith.constant 0 : i32
    return %c0_i32 : i32
  }
}

module attributes {stable_mosaic.version = 14 : i64} {
  func.func @_overlay_kernel(%arg0: i32, %arg1: i32, %arg2: memref<8xi32, #tpu.memory_space<smem>>, %arg3: memref<8x2113x2048xf32, #tpu.memory_space<any>>, %arg4: memref<1x8x2048xf32, #tpu.memory_space<vmem>>, %arg5: memref<1x65x2048xf32, #tpu.memory_space<vmem>>, %arg6: memref<1x8x2048xf32, #tpu.memory_space<vmem>>) attributes {dimension_semantics = [#tpu.dimension_semantics<arbitrary>, #tpu.dimension_semantics<arbitrary>], iteration_bounds = array<i64: 8, 9>, scalar_prefetch = 1 : i64, scratch_operands = 0 : i64, tpu.core_type = #tpu.core_type<tc>, window_params = [{}, {transform_indices = @transform_1, window_bounds = array<i64: 1, 8, 2048>}, {transform_indices = @transform_2, window_bounds = array<i64: 1, 65, 2048>}, {transform_indices = @transform_3, window_bounds = array<i64: 1, 8, 2048>}]} {
    %get3A = arith.index_cast %arg0 : i32 to index
    %get3A_0 = memref.load %arg2[%get3A] : memref<8xi32, #tpu.memory_space<smem>>
    %jit3A = arith.constant 8 : i32
    %div3A = arith.divsi %get3A_0, %jit3A : i32
    %sign3A = arith.constant 0 : i32
    %sign3A_1 = arith.cmpi sgt, %get3A_0, %sign3A : i32
    %sign3A_2 = arith.extui %sign3A_1 : i1 to i32
    %sign3A_3 = arith.constant 0 : i32
    %sign3A_4 = arith.cmpi slt, %get3A_0, %sign3A_3 : i32
    %sign3A_5 = arith.extui %sign3A_4 : i1 to i32
    %sign3A_6 = arith.subi %sign3A_2, %sign3A_5 : i32
    %sign3A_7 = arith.constant 0 : i32
    %sign3A_8 = arith.cmpi sgt, %jit3A, %sign3A_7 : i32
    %sign3A_9 = arith.extui %sign3A_8 : i1 to i32
    %sign3A_10 = arith.constant 0 : i32
    %sign3A_11 = arith.cmpi slt, %jit3A, %sign3A_10 : i32
    %sign3A_12 = arith.extui %sign3A_11 : i1 to i32
    %sign3A_13 = arith.subi %sign3A_9, %sign3A_12 : i32
    %ne3A = arith.cmpi ne, %sign3A_6, %sign3A_13 : i32
    %rem3A = arith.remsi %get3A_0, %jit3A : i32
    %ne3A_14 = arith.constant 0 : i32
    %ne3A_15 = arith.cmpi ne, %rem3A, %ne3A_14 : i32
    %and3A = arith.andi %ne3A, %ne3A_15 : i1
    %sub3A = arith.constant 1 : i32
    %sub3A_16 = arith.subi %div3A, %sub3A : i32
    %select_n3A = arith.select %and3A, %sub3A_16, %div3A : i32
    %add3A = arith.addi %select_n3A, %arg1 : i32
    %min3A = arith.constant 264 : i32
    %min3A_17 = arith.minsi %add3A, %min3A : i32
    %mul3A = arith.constant 8 : i32
    %mul3A_18 = arith.muli %min3A_17, %mul3A : i32
    %iota3A = tpu.iota {dimensions = array<i32: 0>} : vector<8x1xi32>
    %add3A_19 = vector.broadcast %mul3A_18 : i32 to vector<8x1xi32>
    %add3A_20 = arith.addi %add3A_19, %iota3A : vector<8x1xi32>
    %sub3A_21 = vector.broadcast %get3A_0 : i32 to vector<8x1xi32>
    %sub3A_22 = arith.subi %add3A_20, %sub3A_21 : vector<8x1xi32>
    %ge3A = arith.constant 0 : i32
    %ge3A_23 = vector.broadcast %ge3A : i32 to vector<8x1xi32>
    %ge3A_24 = arith.cmpi sge, %sub3A_22, %ge3A_23 : vector<8x1xi32>
    %lt3A = arith.constant 65 : i32
    %lt3A_25 = vector.broadcast %lt3A : i32 to vector<8x1xi32>
    %lt3A_26 = arith.cmpi slt, %sub3A_22, %lt3A_25 : vector<8x1xi32>
    %and3A_27 = arith.andi %ge3A_24, %lt3A_26 : vector<8x1xi1>
    %not3A = arith.constant dense<true> : vector<8x1xi1>
    %not3A_28 = arith.xori %and3A_27, %not3A : vector<8x1xi1>
    %lt3A_29 = arith.constant 2048 : i32
    %lt3A_30 = vector.broadcast %lt3A_29 : i32 to vector<8x1xi32>
    %lt3A_31 = arith.cmpi slt, %add3A_20, %lt3A_30 : vector<8x1xi32>
    %and3A_32 = arith.andi %not3A_28, %lt3A_31 : vector<8x1xi1>
    %get3A_33 = arith.constant 0 : index
    %get3A_34 = arith.constant 0 : index
    %get3A_35 = arith.constant 0 : index
    %get3A_36 = vector.load %arg4[%get3A_33, %get3A_34, %get3A_35] : memref<1x8x2048xf32, #tpu.memory_space<vmem>>, vector<1x8x2048xf32>
    %get3A_37 = vector.shape_cast %get3A_36 : vector<1x8x2048xf32> to vector<8x2048xf32>
    %jit3A_38 = arith.constant 0.000000e+00 : f32
    %broadcast_in_dim3A = vector.shape_cast %and3A_32 : vector<8x1xi1> to vector<8x1xi1>
    %broadcast_in_dim3A_39 = vector.broadcast %broadcast_in_dim3A : vector<8x1xi1> to vector<8x2048xi1>
    %broadcast_in_dim3A_40 = vector.broadcast %jit3A_38 : f32 to vector<8x2048xf32>
    %select_n3A_41 = arith.select %broadcast_in_dim3A_39, %get3A_37, %broadcast_in_dim3A_40 : vector<8x2048xi1>, vector<8x2048xf32>
    %iota3A_42 = tpu.iota {dimensions = array<i32: 1>} : vector<8x65xi32>
    %eq3A = vector.broadcast %sub3A_22 : vector<8x1xi32> to vector<8x65xi32>
    %eq3A_43 = arith.cmpi eq, %eq3A, %iota3A_42 : vector<8x65xi32>
    %and3A_44 = vector.broadcast %and3A_27 : vector<8x1xi1> to vector<8x65xi1>
    %and3A_45 = arith.andi %eq3A_43, %and3A_44 : vector<8x65xi1>
    %convert_element_type3A = arith.extui %and3A_45 : vector<8x65xi1> to vector<8x65xi32>
    %convert_element_type3A_46 = arith.sitofp %convert_element_type3A : vector<8x65xi32> to vector<8x65xf32>
    %get3A_47 = arith.constant 0 : index
    %get3A_48 = arith.constant 0 : index
    %get3A_49 = arith.constant 0 : index
    %get3A_50 = vector.load %arg5[%get3A_47, %get3A_48, %get3A_49] : memref<1x65x2048xf32, #tpu.memory_space<vmem>>, vector<1x65x2048xf32>
    %get3A_51 = vector.shape_cast %get3A_50 : vector<1x65x2048xf32> to vector<65x2048xf32>
    %dot_general3A = arith.constant dense<0.000000e+00> : vector<8x2048xf32>
    %dot_general3A_52 = tpu.matmul %convert_element_type3A_46, %get3A_51, %dot_general3A {dimension_numbers = #tpu.dot_dimension_numbers<[1], [0], [0], [1], [0, 0, 1, 1], [], []>, transpose_lhs_hint = false} : vector<8x65xf32>, vector<65x2048xf32>, vector<8x2048xf32> -> vector<8x2048xf32>
    %add3A_53 = arith.addf %select_n3A_41, %dot_general3A_52 : vector<8x2048xf32>
    %swap3A = arith.constant 0 : index
    %swap3A_54 = arith.constant 0 : index
    %swap3A_55 = arith.constant 0 : index
    %swap3A_56 = vector.load %arg6[%swap3A, %swap3A_54, %swap3A_55] : memref<1x8x2048xf32, #tpu.memory_space<vmem>>, vector<1x8x2048xf32>
    %swap3A_57 = vector.shape_cast %swap3A_56 : vector<1x8x2048xf32> to vector<8x2048xf32>
    %swap3A_58 = vector.shape_cast %add3A_53 : vector<8x2048xf32> to vector<1x8x2048xf32>
    tpu.vector_store %arg6[%swap3A, %swap3A_54, %swap3A_55], %swap3A_58 {strides = array<i32>} : memref<1x8x2048xf32, #tpu.memory_space<vmem>>, vector<1x8x2048xf32>,
    return
  }
  func.func @transform_1(%arg0: i32, %arg1: i32, %arg2: memref<8xi32, #tpu.memory_space<smem>>) -> (i32, i32, i32) {
    %get3A = arith.index_cast %arg0 : i32 to index
    %get3A_0 = memref.load %arg2[%get3A] : memref<8xi32, #tpu.memory_space<smem>>
    %jit3A = arith.constant 8 : i32
    %div3A = arith.divsi %get3A_0, %jit3A : i32
    %sign3A = arith.constant 0 : i32
    %sign3A_1 = arith.cmpi sgt, %get3A_0, %sign3A : i32
    %sign3A_2 = arith.extui %sign3A_1 : i1 to i32
    %sign3A_3 = arith.constant 0 : i32
    %sign3A_4 = arith.cmpi slt, %get3A_0, %sign3A_3 : i32
    %sign3A_5 = arith.extui %sign3A_4 : i1 to i32
    %sign3A_6 = arith.subi %sign3A_2, %sign3A_5 : i32
    %sign3A_7 = arith.constant 0 : i32
    %sign3A_8 = arith.cmpi sgt, %jit3A, %sign3A_7 : i32
    %sign3A_9 = arith.extui %sign3A_8 : i1 to i32
    %sign3A_10 = arith.constant 0 : i32
    %sign3A_11 = arith.cmpi slt, %jit3A, %sign3A_10 : i32
    %sign3A_12 = arith.extui %sign3A_11 : i1 to i32
    %sign3A_13 = arith.subi %sign3A_9, %sign3A_12 : i32
    %ne3A = arith.cmpi ne, %sign3A_6, %sign3A_13 : i32
    %rem3A = arith.remsi %get3A_0, %jit3A : i32
    %ne3A_14 = arith.constant 0 : i32
    %ne3A_15 = arith.cmpi ne, %rem3A, %ne3A_14 : i32
    %and3A = arith.andi %ne3A, %ne3A_15 : i1
    %sub3A = arith.constant 1 : i32
    %sub3A_16 = arith.subi %div3A, %sub3A : i32
    %select_n3A = arith.select %and3A, %sub3A_16, %div3A : i32
    %add3A = arith.addi %select_n3A, %arg1 : i32
    %min3A = arith.constant 255 : i32
    %min3A_17 = arith.minsi %add3A, %min3A : i32
    %c0_i32 = arith.constant 0 : i32
    %c0_i32_18 = arith.constant 0 : i32
    return %arg0, %min3A_17, %c0_i32 : i32, i32, i32
  }
  func.func @transform_2(%arg0: i32, %arg1: i32, %arg2: memref<8xi32, #tpu.memory_space<smem>>) -> (i32, i32, i32) {
    %c0_i32 = arith.constant 0 : i32
    %c0_i32_0 = arith.constant 0 : i32
    %c0_i32_1 = arith.constant 0 : i32
    return %arg0, %c0_i32, %c0_i32_0 : i32, i32, i32
  }
  func.func @transform_3(%arg0: i32, %arg1: i32, %arg2: memref<8xi32, #tpu.memory_space<smem>>) -> (i32, i32, i32) {
    %get3A = arith.index_cast %arg0 : i32 to index
    %get3A_0 = memref.load %arg2[%get3A] : memref<8xi32, #tpu.memory_space<smem>>
    %jit3A = arith.constant 8 : i32
    %div3A = arith.divsi %get3A_0, %jit3A : i32
    %sign3A = arith.constant 0 : i32
    %sign3A_1 = arith.cmpi sgt, %get3A_0, %sign3A : i32
    %sign3A_2 = arith.extui %sign3A_1 : i1 to i32
    %sign3A_3 = arith.constant 0 : i32
    %sign3A_4 = arith.cmpi slt, %get3A_0, %sign3A_3 : i32
    %sign3A_5 = arith.extui %sign3A_4 : i1 to i32
    %sign3A_6 = arith.subi %sign3A_2, %sign3A_5 : i32
    %sign3A_7 = arith.constant 0 : i32
    %sign3A_8 = arith.cmpi sgt, %jit3A, %sign3A_7 : i32
    %sign3A_9 = arith.extui %sign3A_8 : i1 to i32
    %sign3A_10 = arith.constant 0 : i32
    %sign3A_11 = arith.cmpi slt, %jit3A, %sign3A_10 : i32
    %sign3A_12 = arith.extui %sign3A_11 : i1 to i32
    %sign3A_13 = arith.subi %sign3A_9, %sign3A_12 : i32
    %ne3A = arith.cmpi ne, %sign3A_6, %sign3A_13 : i32
    %rem3A = arith.remsi %get3A_0, %jit3A : i32
    %ne3A_14 = arith.constant 0 : i32
    %ne3A_15 = arith.cmpi ne, %rem3A, %ne3A_14 : i32
    %and3A = arith.andi %ne3A, %ne3A_15 : i1
    %sub3A = arith.constant 1 : i32
    %sub3A_16 = arith.subi %div3A, %sub3A : i32
    %select_n3A = arith.select %and3A, %sub3A_16, %div3A : i32
    %add3A = arith.addi %select_n3A, %arg1 : i32
    %min3A = arith.constant 264 : i32
    %min3A_17 = arith.minsi %add3A, %min3A : i32
    %c0_i32 = arith.constant 0 : i32
    %c0_i32_18 = arith.constant 0 : i32
    return %arg0, %min3A_17, %c0_i32 : i32, i32, i32
  }
}

</mosaic_0001>

<sc_bundles>
// kernel: kernel.5.cloned.1.call-start
scs
__scs_entry_jumppad:
0x0: {  	(pc) =	sbr.rel $0x88, $3  }
0x1: {  	(tag) =	ssettag $0x0;
	lr =	simm.s32 $0x1  }
0x2: {  	[smem:$0x3F92] =	sst lr;
	_ =	strace $0xD0000000  }
0x3: {  	_ = 	snop  }
0x4: {  	_ = 	snop  }
0x5: {  	_ = 	snop  }
0x6: {  	_ = 	snop  }
0x7: {  	_ = 	snop  }
__scs_overlays_trampoline_lowered:
0x8: {  	[smem:$0x3FA1] =	sst s0  }
0x9: {  	[smem:$0x3FA2] =	sst s1  }
0xa: {  	[smem:$0x3FA3] =	sst s2  }
0xb: {  	[smem:$0x3FA4] =	sst s3  }
0xc: {  	[smem:$0x3FA5] =	sst s4  }
0xd: {  	[smem:$0x3FA6] =	sst s5  }
0xe: {  	[smem:$0x3FA7] =	sst s6  }
0xf: {  	[smem:$0x3FA8] =	sst s7  }
0x10: {  	[smem:$0x3FA9] =	sst s8  }
0x11: {  	[smem:$0x3FAA] =	sst s9;
	s0 =	simm.s32 @!p0 $0x0  }
0x12: {  	s1 =	sld [smem:$0x3F90];
	s0 =	simm.s32 @p0 $0x1  }
0x13: {  	[smem:$0x3FAB] =	sst s0;
	s0 =	simm.s32 @!p1 $0x0  }
0x14: {  	s2 =	sld [smem:$0x3F8F];
	s0 =	simm.s32 @p1 $0x1  }
0x15: {  	[smem:$0x3FAC] =	sst s0;
	s0 =	simm.s32 @!p2 $0x0  }
0x16: {  	s3 =	sld [smem:$0x3FDB];
	s0 =	simm.s32 @p2 $0x1  }
0x17: {  	s4 =	simm.s32 $0x1BF5;
	[smem:$0x3FAE] =	sst s0  }
0x18: {  	s0 =	sld [smem:$0x3F91];
	_ =	swait.ge [sflag:s4], $0x0  }
0x19: {  	s7 =	sld [smem:$0x3F92]  }
0x1a: {  	s8 =	sadd.s32 $0xFFFFE003, lr  }
0x1b: {  	s9 =	sadd.s32 $0xFFFFFEF7, lr;
	s5 =	simm.s32 $0xFFFFFFFF;
	p2 =	slt.u32 s8, $0xFFFFF086  }
0x1c: {  	p1 =	slt.u32 s9, $0xF7A;
	s5 =	simm.s32 @!p2 $0x0  }
0x1d: {  	s5 =	simm.s32 @p1 $0x1;
	p0 =	seq.s32 s7, s2  }
0x1e: {  	s7 =	smul.u32 @!p0 $0xF7A, s2;
	p2 =	seq.s32 @!p0 s5, $0x0  }
0x1f: {  	s9 =	smul.u32 $0xF7A, s1;
	s8 =	simm.s32 @!p0 $0x1BF5;
	p2 =	por !p2, p0  }
0x20: {  	[sflag:s8] =	ssyncset.s32 @!p0 $0xFFFFF086;
	s6 =	sadd.s32 @!p0 s3, s7;
	s7 =	simm.s32 @!p0 $0x108  }
0x21: {  	s3 =	sadd.s32 s3, s9;
	s6 =	sadd.s32 @!p0 $0x88, s6;
	s7 =	simm.s32 @p2 $0x1082  }
0x22: {  	[simem:s7], [sflag:s8] =	dma.local @!p0 [hbm:s6], $0xF7A  }
0x23: {  	s9 =	sor.u32 $0xD0000000, s2;
	s6 =	simm.s32 $0x108;
	_ =	swait.ge @!p0 [sflag:s8], $0x0  }
0x24: {  	s3 =	sadd.s32 $0x88, s3;
	s6 =	simm.s32 @!p1 $0x1082;
	[sflag:s4] =	ssyncset.s32 $0xFFFFF086  }
0x25: {  	[simem:s6], [sflag:s4] =	dma.local [hbm:s3], $0xF7A  }
0x26: {  	[smem:$0x3F92] =	sst s1;
	(tag) =	ssettag s2;
	_ =	strace s9  }
0x27: {  	s1 =	sld [smem:$0x3FA2]  }
0x28: {  	s2 =	sld [smem:$0x3FA3]  }
0x29: {  	s4 =	sld [smem:$0x3FA5]  }
0x2a: {  	p0 =	seq.s32 s5, $0x0;
	s5 =	sld [smem:$0x3FA6]  }
0x2b: {  	s6 =	sld [smem:$0x3FA7]  }
0x2c: {  	s7 =	sld [smem:$0x3FA8]  }
0x2d: {  	s3 =	simm.s32 $0x108;
	s8 =	sld [smem:$0x3FA9]  }
0x2e: {  	s3 =	simm.s32 @!p0 $0x1082;
	s9 =	sld [smem:$0x3FAA]  }
0x2f: {  	lr =	sadd.s32 s0, s3;
	s0 =	sld [smem:$0x3FA1]  }
0x30: {  	s3 =	sld [smem:$0x3FA4]  }
0x31: {  	[smem:$0x3FAD] =	sst s10  }
0x32: {  	s10 =	sld [smem:$0x3FAB];
	_ =	sdelay $0x3  }
0x33: {  	p0 =	seq.s32 s10, $0x1;
	s10 =	sld [smem:$0x3FAD];
	_ =	sdelay $0x3  }
0x34: {  	[smem:$0x3FAD] =	sst s10  }
0x35: {  	s10 =	sld [smem:$0x3FAC];
	_ =	sdelay $0x3  }
0x36: {  	p1 =	seq.s32 s10, $0x1;
	s10 =	sld [smem:$0x3FAD];
	_ =	sdelay $0x3  }
0x37: {  	[smem:$0x3FAD] =	sst s10  }
0x38: {  	s10 =	sld [smem:$0x3FAE]  }
0x39: {  	_ = 	snop;
	(pc) =	sbr.ind lr, $3  }
0x3a: {  	_ = 	snop  }
0x3b: {  	_ = 	snop  }
0x3c: {  	p2 =	seq.s32 s10, $0x1;
	s10 =	sld [smem:$0x3FAD]  }
0x3d: {  	_ =	shalt  }
0x3e: {  	_ =	shalt  }
0x3f: {  	_ =	shalt  }
0x40: {  	_ =	shalt  }
0x41: {  	_ =	shalt  }
0x42: {  	_ =	shalt  }
0x43: {  	_ =	shalt  }
0x44: {  	_ =	shalt  }
0x45: {  	_ =	shalt  }
0x46: {  	_ =	shalt  }
0x47: {  	_ =	shalt  }
0x48: {  	_ =	shalt  }
0x49: {  	_ =	shalt  }
0x4a: {  	_ =	shalt  }
0x4b: {  	_ =	shalt  }
0x4c: {  	_ =	shalt  }
0x4d: {  	_ =	shalt  }
0x4e: {  	_ =	shalt  }
0x4f: {  	_ =	shalt  }
0x50: {  	_ =	shalt  }
0x51: {  	_ =	shalt  }
0x52: {  	_ =	shalt  }
0x53: {  	_ =	shalt  }
0x54: {  	_ =	shalt  }
0x55: {  	_ =	shalt  }
0x56: {  	_ =	shalt  }
0x57: {  	_ =	shalt  }
0x58: {  	_ =	shalt  }
0x59: {  	_ =	shalt  }
0x5a: {  	_ =	shalt  }
0x5b: {  	_ =	shalt  }
0x5c: {  	_ =	shalt  }
0x5d: {  	_ =	shalt  }
0x5e: {  	_ =	shalt  }
0x5f: {  	_ =	shalt  }
0x60: {  	_ =	shalt  }
0x61: {  	_ =	shalt  }
0x62: {  	_ =	shalt  }
0x63: {  	_ =	shalt  }
0x64: {  	_ =	shalt  }
0x65: {  	_ =	shalt  }
0x66: {  	_ =	shalt  }
0x67: {  	_ =	shalt  }
0x68: {  	_ =	shalt  }
0x69: {  	_ =	shalt  }
0x6a: {  	_ =	shalt  }
0x6b: {  	_ =	shalt  }
0x6c: {  	_ =	shalt  }
0x6d: {  	_ =	shalt  }
0x6e: {  	_ =	shalt  }
0x6f: {  	_ =	shalt  }
0x70: {  	_ =	shalt  }
0x71: {  	_ =	shalt  }
0x72: {  	_ =	shalt  }
0x73: {  	_ =	shalt  }
0x74: {  	_ =	shalt  }
0x75: {  	_ =	shalt  }
0x76: {  	_ =	shalt  }
0x77: {  	_ =	shalt  }
0x78: {  	_ =	shalt  }
0x79: {  	_ =	shalt  }
0x7a: {  	_ =	shalt  }
0x7b: {  	_ =	shalt  }
0x7c: {  	_ =	shalt  }
0x7d: {  	_ =	shalt  }
0x7e: {  	_ =	shalt  }
0x7f: {  	_ =	shalt  }
0x80: {  	_ =	shalt  }
0x81: {  	_ =	shalt  }
0x82: {  	_ =	shalt  }
0x83: {  	_ =	shalt  }
0x84: {  	_ =	shalt  }
0x85: {  	_ =	shalt  }
0x86: {  	_ =	shalt  }
0x87: {  	_ =	shalt  }
.Lfunc_end0:
.L_simem_size_0:
called_computation_lowered:
.L_overlay_start_0:
0x88: {  	s2 =	sld [smem:$0x3FD9]  }
0x89: {  	s3 =	sld [smem:$0x3FFE];
	_ =	sdelay $0x1  }
0x8a: {  	s1 =	srdreg.scid  }
0x8b: {  	s0 =	sand.u32 $0x1, s1  }
0x8c: {  	s17 =	sshll.u32 s0, $0xA;
	s2 =	sadd.s32 s3, s2  }
0x8d: {  	s2 =	sadd.s32 s2, s17  }
0x8e: {  	[smem:$0x3FB9] =	sst s2  }
0x8f: {  	_ = 	snop  }
0x90: {  	s2 =	sld [smem:$0x3FC6]  }
0x91: {  	s18 =	sld [smem:$0x3FD0];
	(tm) =	ssettm $0x1  }
0x92: {  	s4 =	sld [smem:$0x3FFB];
	_ =	sdelay $0x3  }
0x93: {  	_ =	strace s4  }
0x94: {  	s4 =	sld [smem:$0x3FFC];
	_ =	sdelay $0x3  }
0x95: {  	_ =	strace s4  }
0x96: {  	s4 =	sld [smem:$0x3FFD];
	_ =	sdelay $0x3  }
0x97: {  	_ =	strace s4  }
0x98: {  	_ =	strace $0x8FFFFFFF  }
0x99: {  	s19 =	sld [smem:$0x3FDB];
	_ =	sdelay $0x1  }
0x9a: {  	s5 =	simm.s32 $_scs_section_size  }
0x9b: {  	s6 =	simm.s32 $_size__tile_overlayer_lowered;
	s7 =	simm.s32 $_tile_overlayer_lowered  }
0x9c: {  	s22 =	simm.s32 $0x1BFF;
	s21 =	sshll.u32 s7, $0x1;
	s4 =	sadd.s32 s5, s19  }
0x9d: {  	s8 =	simm.s32 $0x0;
	s20 =	sshll.u32 s6, $0x1;
	s6 =	sadd.s32 s21, s4  }
0x9e: {  	[timem:s8], [sflag:s22] =	dma.local [hbm:s6], s20  }
0x9f: {  	_ =	swait.ge [sflag:s22], s20  }
0xa0: {  	s5 =	ssub.s32 $0x0, s20;
	[sflag:s22] =	ssyncset.done $0x0  }
0xa1: {  	[sflag:s22] =	ssyncadd.s32 s5;
	_ =	sdelay $0x1  }
0xa2: {  	s23 =	simm.s32 $0x1B8B  }
0xa3: {  	_ =	swait.ge [sflag:s23], $0x1  }
0xa4: {  	[sflag:s23] =	ssyncset.done $0x0  }
0xa5: {  	s25 =	simm.s32 $0x1B8E;
	s24 =	sld [smem:$0x3FFE];
	[sflag:s23] =	ssyncadd.s32 $0xFFFFFFFF  }
0xa6: {  	s26 =	simm.s32 $execute0_lowered;
	[smem:$0x3FD2] =	sst s25  }
0xa7: {  	s6 =	sshll.u32 s26, $0x1;
	_ =	strace $0x80000046;
	[dreg:$0x1] =	wrdreg $0xFFFFFFFF  }
0xa8: {  	s28 =	simm.s32 $_size_execute0_lowered;
	s4 =	sadd.s32 s4, s6;
	[dreg:$0x0] =	wrdreg $0x0  }
0xa9: {  	s6 =	sshll.u32 s28, $0x1;
	[dreg:$0x2] =	wrdreg s4  }
0xaa: {  	[dreg:$0x3] =	wrdreg s6  }
0xab: {  	[dreg:$0x4] =	wrdreg $0xC0  }
0xac: {  	_ =	task [dreg:s8], $0x5FFFF  }
0xad: {  	[dreg:$0x1] =	wrdreg $0xFFFFFFFF  }
0xae: {  	[dreg:$0x0] =	wrdreg $0x60  }
0xaf: {  	[dreg:$0x2] =	wrdreg s2  }
0xb0: {  	[dreg:$0x3] =	wrdreg s18  }
0xb1: {  	[dreg:$0x4] =	wrdreg s24  }
0xb2: {  	[dreg:$0x5] =	wrdreg $0x9  }
0xb3: {  	_ =	task.clear_ibuf [dreg:s8], $0x6FFFF;
	_ =	strace $0x90000046  }
0xb4: {  	s29 =	simm.s32 $0x9;
	_ =	strace $0x80000048  }
0xb5: {  	_ =	swait.ge [sflag:s29], $0x1  }
0xb6: {  	[sflag:s29] =	ssyncadd.s32 $0xFFFFFFFF  }
0xb7: {  	_ =	strace $0x90000048  }
0xb8: {  	_ =	sfence  }
0xb9: {  	s30 =	sld [smem:$0x0];
	_ =	sdelay $0x2  }
0xba: {  	s31 =	sshll.u32 s1, $0xD;
	s1 =	sshrl.u32 s1, $0x2  }
0xbb: {  	s3 =	sand.u32 $0x4000, s31;
	s1 =	sadd.s32 s1, s30  }
0xbc: {  	s0 =	sor.u32 s3, s0;
	s1 =	sshll.u32 s1, $0x11  }
0xbd: {  	s0 =	sor.u32 s1, s0  }
0xbe: {  	s0 =	sadd.s32 $0x8F2B, s0  }
0xbf: {  	[sflag:s0] =	ssyncadd.remote.s32 $0x1  }
0xc0: {  	_ =	sfence.sel $0xFFFF  }
0xc1: {  	[dreg:$0x0] =	wrdreg $0xFFFFFFFF;
	(pc) =	sbr.abs _section_cstart, $3  }
0xc2: {  	[dreg:$0x1] =	wrdreg $0xFFFFFFFF  }
0xc3: {  	_ =	task.clear_ibuf [dreg:s8], $0x2FFFF;
	_ =	strace $0x9FFFFFFF  }
0xc4: {  	(tm) =	ssettm $0x7FFFFFFF  }
0xc5: {  	_ =	shalt  }
tec
execute0_lowered:
.L_overlay_start_1:
0x0: {  	(tag) =	ssettag $0x1  }
0x1: {  	s1 =	srdreg.scid;
	s3 =	rddreg [dreg:$0x0]  }
0x2: {  	s0 =	stileid.u32;
	s2 =	rddreg [dreg:$0x1]  }
0x3: {  	s6 =	rddreg [dreg:$0x2];
	s7 =	simm.s32 $0x0;
	s4 =	sand.u32 $0x1, s1  }
0x4: {  	s5 =	sshrl.u32 s0, $0x2;
	[smem:$0x7FF] =	sst s7;
	s9 =	sand.u32 $0x3, s0  }
0x5: {  	s31 =	sshll.u32 s0, $0x6;
	s1 =	sshll.u32 s4, $0x2;
	s26 =	ssub.s32 $0x2, s4  }
0x6: {  	s29 =	sshll.u32 s9, $0x11;
	p0 =	sne.s32 s9, $0x1;
	s5 =	sor.u32 s5, s1  }
0x7: {  	s1 =	rddreg [dreg:$0x3];
	_ =	strace $0x80000047;
	s8 =	smul.u32 $0x84800, s5  }
0x8: {  	s10 =	sshrl.u32 s26, $0x1;
	s28 =	sshll.u32 s5, $0x13;
	s5 =	sor.u32 $0x1C01, s31  }
0x9: {  	s3 =	sadd.s32 s3, s28;
	s25 =	sadd.s32 s8, s6;
	s8 =	ssub.s32 s26, s10  }
0xa: {  	s3 =	sadd.s32 s29, s3;
	s30 =	sadd.s32 s29, s25;
	s8 =	smax.u32 s8, $0x1  }
0xb: {  	s6 =	simm.s32 $0x1;
	s4 =	sadd.s32 $0x2000, s30;
	s9 =	sadd.s32 $0xFFFFFFFF, s8  }
0xc: {  	[hbm:s4], [sflag:s5] =	dma.local [hbm:s3], $0x20000  }
0xd: {  	p1 =	sne.s32 s9, $0x0;
	_ =	swait.ge [sflag:s6], $0x20000  }
.Ltmp0:
0xe: {  	[sflag:s6] =	ssyncset.done $0x0;
	(pc) =	sbr.rel @!p1 .LBB2_2-.Ltmp0, $4  }
0xf: {  	s7 =	sadd.s32 $0x82000, s25;
	s8 =	simm.s32 @!p0 $0x1;
	[sflag:s6] =	ssyncadd.s32 $0xFFFE0000  }
0x10: {  	[hbm:s7], [sflag:s5] =	dma.local @!p0 [hbm:s2], $0x4800  }
0x11: {  	_ =	swait.ge @!p0 [sflag:s8], $0x4800  }
0x12: {  	[sflag:s8] =	ssyncset.done @!p0 $0x0  }
.LBB2_1:
0x13: {  	s9 =	sadd.s32 $0xFFFFFFFF, s9;
	[sflag:s8] =	ssyncadd.s32 @!p0 $0xFFFFB800  }
0x14: {  	[hbm:s4], [sflag:s5] =	dma.local [hbm:s3], $0x20000  }
0x15: {  	p1 =	sne.s32 s9, $0x0;
	_ =	swait.ge [sflag:s6], $0x20000  }
.Ltmp1:
0x16: {  	[sflag:s6] =	ssyncset.done $0x0;
	(pc) =	sbr.rel @p1 .LBB2_1-.Ltmp1, $4  }
0x17: {  	[sflag:s6] =	ssyncadd.s32 $0xFFFE0000  }
0x18: {  	[hbm:s7], [sflag:s5] =	dma.local @!p0 [hbm:s2], $0x4800  }
0x19: {  	_ =	swait.ge @!p0 [sflag:s8], $0x4800  }
0x1a: {  	[sflag:s8] =	ssyncset.done @!p0 $0x0  }
.LBB2_2:
0x1b: {  	[sflag:s8] =	ssyncadd.s32 @!p0 $0xFFFFB800  }
0x1c: {  	_ =	sfence.sel $0x180000  }
0x1d: {  	[bflag:$0x0] =	sbarrier.arrive $0xFFFF  }
0x1e: {  	p0 =	sne.s32 s0, $0x0;
	_ =	strace $0x90000047  }
0x1f: {  	s0 =	sadd.s32 @!p0 $0x100000, s1;
	[bflag:$0x2] =	sbarrier.arrive $0xFFFF  }
0x20: {  	[sflag:s0] =	ssyncadd.tile.s32 @!p0 $0x1;
	_ =	shalt  }
.Lfunc_end2:
_tile_overlayer_lowered:
.L_overlay_start_2:
0x21: {  	(tag) =	ssettag $0x2  }
0x22: {  	s0 =	rddreg [dreg:$0x0];
	s2 =	stileid.u32  }
0x23: {  	s1 =	rddreg [dreg:$0x1];
	p0 =	sne.s32 s2, $0x0  }
0x24: {  	s3 =	rddreg [dreg:$0x2];
	[bflag:$0x3] =	sbarrier.arrive $0xFFFF;
	s2 =	simm.s32 @!p0 $0x1C01  }
0x25: {  	[timem:s3], [sflag:s2] =	dma.local @!p0 [hbm:s0], s1  }
0x26: {  	s0 =	simm.s32 @!p0 $0x1  }
0x27: {  	_ =	swait.ge @!p0 [sflag:s0], s1  }
0x28: {  	s1 =	ssub.s32 @!p0 $0x0, s1;
	[sflag:s0] =	ssyncset.done @!p0 $0x0  }
0x29: {  	[sflag:s0] =	ssyncadd.s32 @!p0 s1  }
0x2a: {  	[bflag:$0x3] =	sbarrier.arrive $0xFFFF  }
0x2b: {  	_ =	shalt  }

</sc_bundles>
